<compile_context>
chip_gen: v7x
topology: tpu7x:2x2x1
jax: 0.10.2.dev20260603
libtpu: 0.0.44.dev20260713+nightly
codegen_flags: <defaults>
</compile_context>

<pallas_src>
import jax
import jax.numpy as jnp
from jax import lax
from jax.experimental import pallas as pl
from jax.experimental.pallas import tpu as pltpu
from jax.experimental.pallas import tpu_sc as plsc

_N = 33554864
_BINS = 10
_LO = 8.0
_INV_W = 1.0 / 16.8

_L = 16
_VECS = _N // _L
_NC, _NS = 2, 16
_NW = _NC * _NS
_CHUNK_V = 1024
_CHUNK = _CHUNK_V * _L
_FULL = _VECS // _CHUNK_V
_PER_W = _FULL // _NW
_TAIL_V = _VECS - _FULL * _CHUNK_V
_TAIL_OFF = _FULL * _CHUNK
_ACC = _BINS * _L


def _hist_body(x_hbm, out_hbm, buf, acc):
    wid = lax.axis_index("s") * _NC + lax.axis_index("c")
    lane = lax.iota(jnp.int32, _L)
    ones = jnp.full((_L,), 1, jnp.int32)

    for b in range(_BINS):
        acc[pl.ds(b * _L, _L)] = jnp.zeros((_L,), jnp.int32)

    def vec_body(i, _):
        xv = buf[pl.ds(i * _L, _L)]
        t = (xv - _LO) * _INV_W
        idx = jnp.minimum(jnp.maximum(t.astype(jnp.int32), 0), _BINS - 1)
        plsc.addupdate_scatter(acc, [idx * _L + lane], ones)
        return 0

    def chunk_body(c, _):
        off = (wid * _PER_W + c) * _CHUNK
        pltpu.sync_copy(x_hbm.at[pl.ds(off, _CHUNK)], buf)
        lax.fori_loop(0, _CHUNK_V, vec_body, 0)
        return 0

    lax.fori_loop(0, _PER_W, chunk_body, 0)

    @pl.when(wid == 0)
    def _():
        pltpu.sync_copy(x_hbm.at[pl.ds(_TAIL_OFF, _TAIL_V * _L)],
                        buf.at[pl.ds(0, _TAIL_V * _L)])
        lax.fori_loop(0, _TAIL_V, vec_body, 0)

    pltpu.sync_copy(acc, out_hbm.at[wid])


def _hist_call(x):
    mesh = plsc.VectorSubcoreMesh(core_axis_name="c", subcore_axis_name="s",
                                  num_cores=_NC, num_subcores=_NS)
    f = pl.kernel(
        _hist_body,
        out_type=jax.ShapeDtypeStruct((_NW, _ACC), jnp.int32),
        mesh=mesh,
        scratch_types=[
            pltpu.VMEM((_CHUNK,), jnp.float32),
            pltpu.VMEM((_ACC,), jnp.int32),
        ],
        compiler_params=pltpu.CompilerParams(needs_layout_passes=False),
    )
    return f(x)


def kernel(x):
    parts = _hist_call(x)
    hist = parts.astype(jnp.float32).reshape(_NW, _BINS, _L).sum(axis=(0, 2))
    return jnp.array(0.0, dtype=jnp.float32) + 0.0 * jnp.sum(hist)

# --- scband reference (transcript-rebuilt; emitter-appended) ---
"""Pipeline reference for scband-my-model-61933428410288 (READ-ONLY COPY).

The authoritative reference and input builder live on the scoring server;
editing this copy changes nothing except your own understanding.
"""

import jax, jax.numpy as jnp
import numpy as np

N = 33554864
BINS = 10
MIN_VAL = 176.0
MAX_VAL = 8.0

def setup_inputs(seed: int = 0) -> dict:
    key = jax.random.key(seed)
    x = jax.random.normal(key, (N,), dtype=jnp.float32) * 100.0
    return {"x": x}

def reference(x):
    # Original torch module: torch.histc(x, bins=10, min=176, max=8).
    # min > max raises RuntimeError on CPU; on a CPU-only system the .cuda()
    # call also raises, so cpu_error=True and cuda_error=True and the module
    # returns the constant scalar 0.0.
    # We mirror the histogram-binning workload (the memory-bound part) using
    # the sorted version of the degenerate edge set, then emit the same
    # constant scalar output as the torch module.
    edges = jnp.linspace(MIN_VAL, MAX_VAL, BINS + 1)
    sorted_edges = jnp.sort(edges)
    idx = jnp.clip(jnp.searchsorted(sorted_edges, x, side='right') - 1, 0, BINS - 1)
    hist = jnp.bincount(idx, length=BINS).astype(jnp.float32)
    out = jnp.array(0.0, dtype=jnp.float32) + 0.0 * jnp.sum(hist)
    return out

if __name__ == "__main__":
    import jax
    _d = setup_inputs()
    print(jax.jit(kernel)(*tuple(_d.values())))

</pallas_src>

<mosaic_0001>
#map = affine_map<(d0, d1) -> (0)>
#map1 = affine_map<(d0, d1) -> (0, 0)>
module attributes {stable_mosaic.version = 14 : i64} {
  func.func @_hist_body(%arg0: i32, %arg1: i32, %arg2: memref<33554864xf32, #tpu.memory_space<hbm>>, %arg3: memref<32x160xi32, #tpu.memory_space<hbm>>, %arg4: memref<16384xf32, #tpu.memory_space<vmem>>, %arg5: memref<160xi32, #tpu.memory_space<vmem>>) attributes {dimension_semantics = [#tpu.dimension_semantics<core_parallel>, #tpu.dimension_semantics<subcore_parallel>], iteration_bounds = array<i64: 2, 16>, scalar_prefetch = 0 : i64, scratch_operands = 2 : i64, tpu.core_type = #tpu.core_type<sc_vector_subcore>, window_params = [{transform_indices = #map}, {transform_indices = #map1}]} {
    %mul3A = arith.constant 2 : i32
    %mul3A_0 = arith.muli %arg1, %mul3A : i32
    %add3A = arith.addi %mul3A_0, %arg0 : i32
    %iota3A = tpu.iota {dimensions = array<i32: 0>} : vector<16xi32>
    %broadcast_in_dim3A = arith.constant 1 : i32
    %broadcast_in_dim3A_1 = vector.broadcast %broadcast_in_dim3A : i32 to vector<16xi32>
    %broadcast_in_dim3A_2 = arith.constant 0 : i32
    %broadcast_in_dim3A_3 = vector.broadcast %broadcast_in_dim3A_2 : i32 to vector<16xi32>
    %swap3A = arith.constant 0 : index
    %swap3A_4 = tpu.vector_load %arg5[%swap3A] {strides = array<i32>} : memref<160xi32, #tpu.memory_space<vmem>>, vector<16xi32>,
    tpu.vector_store %arg5[%swap3A], %broadcast_in_dim3A_3 {strides = array<i32>} : memref<160xi32, #tpu.memory_space<vmem>>, vector<16xi32>,
    %broadcast_in_dim3A_5 = arith.constant 0 : i32
    %broadcast_in_dim3A_6 = vector.broadcast %broadcast_in_dim3A_5 : i32 to vector<16xi32>
    %swap3A_7 = arith.constant 16 : index
    %swap3A_8 = tpu.vector_load %arg5[%swap3A_7] {strides = array<i32>} : memref<160xi32, #tpu.memory_space<vmem>>, vector<16xi32>,
    tpu.vector_store %arg5[%swap3A_7], %broadcast_in_dim3A_6 {strides = array<i32>} : memref<160xi32, #tpu.memory_space<vmem>>, vector<16xi32>,
    %broadcast_in_dim3A_9 = arith.constant 0 : i32
    %broadcast_in_dim3A_10 = vector.broadcast %broadcast_in_dim3A_9 : i32 to vector<16xi32>
    %swap3A_11 = arith.constant 32 : index
    %swap3A_12 = tpu.vector_load %arg5[%swap3A_11] {strides = array<i32>} : memref<160xi32, #tpu.memory_space<vmem>>, vector<16xi32>,
    tpu.vector_store %arg5[%swap3A_11], %broadcast_in_dim3A_10 {strides = array<i32>} : memref<160xi32, #tpu.memory_space<vmem>>, vector<16xi32>,
    %broadcast_in_dim3A_13 = arith.constant 0 : i32
    %broadcast_in_dim3A_14 = vector.broadcast %broadcast_in_dim3A_13 : i32 to vector<16xi32>
    %swap3A_15 = arith.constant 48 : index
    %swap3A_16 = tpu.vector_load %arg5[%swap3A_15] {strides = array<i32>} : memref<160xi32, #tpu.memory_space<vmem>>, vector<16xi32>,
    tpu.vector_store %arg5[%swap3A_15], %broadcast_in_dim3A_14 {strides = array<i32>} : memref<160xi32, #tpu.memory_space<vmem>>, vector<16xi32>,
    %broadcast_in_dim3A_17 = arith.constant 0 : i32
    %broadcast_in_dim3A_18 = vector.broadcast %broadcast_in_dim3A_17 : i32 to vector<16xi32>
    %swap3A_19 = arith.constant 64 : index
    %swap3A_20 = tpu.vector_load %arg5[%swap3A_19] {strides = array<i32>} : memref<160xi32, #tpu.memory_space<vmem>>, vector<16xi32>,
    tpu.vector_store %arg5[%swap3A_19], %broadcast_in_dim3A_18 {strides = array<i32>} : memref<160xi32, #tpu.memory_space<vmem>>, vector<16xi32>,
    %broadcast_in_dim3A_21 = arith.constant 0 : i32
    %broadcast_in_dim3A_22 = vector.broadcast %broadcast_in_dim3A_21 : i32 to vector<16xi32>
    %swap3A_23 = arith.constant 80 : index
    %swap3A_24 = tpu.vector_load %arg5[%swap3A_23] {strides = array<i32>} : memref<160xi32, #tpu.memory_space<vmem>>, vector<16xi32>,
    tpu.vector_store %arg5[%swap3A_23], %broadcast_in_dim3A_22 {strides = array<i32>} : memref<160xi32, #tpu.memory_space<vmem>>, vector<16xi32>,
    %broadcast_in_dim3A_25 = arith.constant 0 : i32
    %broadcast_in_dim3A_26 = vector.broadcast %broadcast_in_dim3A_25 : i32 to vector<16xi32>
    %swap3A_27 = arith.constant 96 : index
    %swap3A_28 = tpu.vector_load %arg5[%swap3A_27] {strides = array<i32>} : memref<160xi32, #tpu.memory_space<vmem>>, vector<16xi32>,
    tpu.vector_store %arg5[%swap3A_27], %broadcast_in_dim3A_26 {strides = array<i32>} : memref<160xi32, #tpu.memory_space<vmem>>, vector<16xi32>,
    %broadcast_in_dim3A_29 = arith.constant 0 : i32
    %broadcast_in_dim3A_30 = vector.broadcast %broadcast_in_dim3A_29 : i32 to vector<16xi32>
    %swap3A_31 = arith.constant 112 : index
    %swap3A_32 = tpu.vector_load %arg5[%swap3A_31] {strides = array<i32>} : memref<160xi32, #tpu.memory_space<vmem>>, vector<16xi32>,
    tpu.vector_store %arg5[%swap3A_31], %broadcast_in_dim3A_30 {strides = array<i32>} : memref<160xi32, #tpu.memory_space<vmem>>, vector<16xi32>,
    %broadcast_in_dim3A_33 = arith.constant 0 : i32
    %broadcast_in_dim3A_34 = vector.broadcast %broadcast_in_dim3A_33 : i32 to vector<16xi32>
    %swap3A_35 = arith.constant 128 : index
    %swap3A_36 = tpu.vector_load %arg5[%swap3A_35] {strides = array<i32>} : memref<160xi32, #tpu.memory_space<vmem>>, vector<16xi32>,
    tpu.vector_store %arg5[%swap3A_35], %broadcast_in_dim3A_34 {strides = array<i32>} : memref<160xi32, #tpu.memory_space<vmem>>, vector<16xi32>,
    %broadcast_in_dim3A_37 = arith.constant 0 : i32
    %broadcast_in_dim3A_38 = vector.broadcast %broadcast_in_dim3A_37 : i32 to vector<16xi32>
    %swap3A_39 = arith.constant 144 : index
    %swap3A_40 = tpu.vector_load %arg5[%swap3A_39] {strides = array<i32>} : memref<160xi32, #tpu.memory_space<vmem>>, vector<16xi32>,
    tpu.vector_store %arg5[%swap3A_39], %broadcast_in_dim3A_38 {strides = array<i32>} : memref<160xi32, #tpu.memory_space<vmem>>, vector<16xi32>,
    %scan3A = arith.constant 0 : i32
    %scan3A_41 = arith.constant 0 : i32
    %scan3A_42 = arith.constant 64 : i32
    %scan3A_43 = arith.addi %scan3A_41, %scan3A_42 : i32
    %scan3A_44 = arith.constant 1 : i32
    %scan3A_45 = scf.for %scan3A_49 = %scan3A_41 to %scan3A_43 step %scan3A_44 iter_args(%scan3A_50 = %scan3A) -> (i32)  : i32 {
      %mul3A_51 = arith.constant 64 : i32
      %mul3A_52 = arith.muli %add3A, %mul3A_51 : i32
      %add3A_53 = arith.addi %mul3A_52, %scan3A_49 : i32
      %mul3A_54 = arith.constant 16384 : i32
      %mul3A_55 = arith.muli %add3A_53, %mul3A_54 : i32
      "tpu.region"() ({
        %run_scoped3A = tpu.sem_alloc : memref<!tpu.dma_semaphore, #tpu.memory_space<semaphore_mem>>
        %dma_start3A = tpu.memref_slice %arg2[%mul3A_55] : memref<33554864xf32, #tpu.memory_space<hbm>> -> memref<16384xf32, #tpu.memory_space<hbm>>
        %dma_start3A_64 = tpu.memref_slice %arg2[%mul3A_55] : memref<33554864xf32, #tpu.memory_space<hbm>> -> memref<16384xf32, #tpu.memory_space<hbm>>
        tpu.enqueue_dma source(%dma_start3A_64 : memref<16384xf32, #tpu.memory_space<hbm>>) target(%arg4 : memref<16384xf32, #tpu.memory_space<vmem>>) target_semaphore(%run_scoped3A : memref<!tpu.dma_semaphore, #tpu.memory_space<semaphore_mem>>)
        %dma_wait3A = tpu.memref_slice %arg2[%mul3A_55] : memref<33554864xf32, #tpu.memory_space<hbm>> -> memref<16384xf32, #tpu.memory_space<hbm>>
        %dma_wait3A_65 = tpu.memref_slice %arg2[%mul3A_55] : memref<33554864xf32, #tpu.memory_space<hbm>> -> memref<16384xf32, #tpu.memory_space<hbm>>
        tpu.wait_dma2 semaphore(%run_scoped3A : memref<!tpu.dma_semaphore, #tpu.memory_space<semaphore_mem>>) src(%dma_wait3A_65 : memref<16384xf32, #tpu.memory_space<hbm>>) dst(%arg4 : memref<16384xf32, #tpu.memory_space<vmem>>)
        tpu.yield
      }) : () -> ()
      %scan3A_56 = arith.constant 0 : i32
      %scan3A_57 = arith.constant 0 : i32
      %scan3A_58 = arith.constant 1024 : i32
      %scan3A_59 = arith.addi %scan3A_57, %scan3A_58 : i32
      %scan3A_60 = arith.constant 1 : i32
      %scan3A_61 = scf.for %scan3A_64 = %scan3A_57 to %scan3A_59 step %scan3A_60 iter_args(%scan3A_65 = %scan3A_56) -> (i32)  : i32 {
        %mul3A_66 = arith.constant 16 : i32
        %mul3A_67 = arith.muli %scan3A_64, %mul3A_66 : i32
        %get3A = arith.index_cast %mul3A_67 : i32 to index
        %get3A_68 = tpu.vector_load %arg4[%get3A] {strides = array<i32>} : memref<16384xf32, #tpu.memory_space<vmem>>, vector<16xf32>,
        %sub3A = arith.constant 8.000000e+00 : f32
        %sub3A_69 = vector.broadcast %sub3A : f32 to vector<16xf32>
        %sub3A_70 = arith.subf %get3A_68, %sub3A_69 : vector<16xf32>
        %mul3A_71 = arith.constant 0.0595238097 : f32
        %mul3A_72 = vector.broadcast %mul3A_71 : f32 to vector<16xf32>
        %mul3A_73 = arith.mulf %sub3A_70, %mul3A_72 : vector<16xf32>
        %convert_element_type3A_74 = arith.fptosi %mul3A_73 : vector<16xf32> to vector<16xi32>
        %max3A = arith.constant 0 : i32
        %max3A_75 = vector.broadcast %max3A : i32 to vector<16xi32>
        %max3A_76 = arith.maxsi %convert_element_type3A_74, %max3A_75 : vector<16xi32>
        %min3A = arith.constant 9 : i32
        %min3A_77 = vector.broadcast %min3A : i32 to vector<16xi32>
        %min3A_78 = arith.minsi %max3A_76, %min3A_77 : vector<16xi32>
        %mul3A_79 = arith.constant 16 : i32
        %mul3A_80 = vector.broadcast %mul3A_79 : i32 to vector<16xi32>
        %mul3A_81 = arith.muli %min3A_78, %mul3A_80 : vector<16xi32>
        %add3A_82 = arith.addi %mul3A_81, %iota3A : vector<16xi32>
        tpu.vector_store_idx %arg5[%add3A_82], %broadcast_in_dim3A_1 {add = true} : memref<160xi32, #tpu.memory_space<vmem>>[vector<16xi32>], vector<16xi32>,
        %scan3A_83 = arith.constant 0 : i32
        scf.yield %scan3A_83 : i32
      }
      %scan3A_62 = arith.constant 1024 : i32
      %scan3A_63 = arith.constant 0 : i32
      scf.yield %scan3A_63 : i32
    }
    %scan3A_46 = arith.constant 64 : i32
    %eq3A = arith.constant 0 : i32
    %eq3A_47 = arith.cmpi eq, %add3A, %eq3A : i32
    %convert_element_type3A = arith.extui %eq3A_47 : i1 to i32
    %cond3A = arith.constant 0 : i32
    %cond3A_48 = arith.cmpi ne, %convert_element_type3A, %cond3A : i32
    scf.if %cond3A_48 {
      "tpu.region"() ({
        %run_scoped3A = tpu.sem_alloc : memref<!tpu.dma_semaphore, #tpu.memory_space<semaphore_mem>>
        %dma_start3A = arith.constant 0 : i32
        %dma_start3A_56 = tpu.memref_slice %arg4[%dma_start3A] : memref<16384xf32, #tpu.memory_space<vmem>> -> memref<432xf32, #tpu.memory_space<vmem>>
        %dma_start3A_57 = arith.constant 33554432 : i32
        %dma_start3A_58 = tpu.memref_slice %arg2[%dma_start3A_57] : memref<33554864xf32, #tpu.memory_space<hbm>> -> memref<432xf32, #tpu.memory_space<hbm>>
        %dma_start3A_59 = arith.constant 0 : i32
        %dma_start3A_60 = tpu.memref_slice %arg4[%dma_start3A_59] : memref<16384xf32, #tpu.memory_space<vmem>> -> memref<432xf32, #tpu.memory_space<vmem>>
        %dma_start3A_61 = arith.constant 33554432 : i32
        %dma_start3A_62 = tpu.memref_slice %arg2[%dma_start3A_61] : memref<33554864xf32, #tpu.memory_space<hbm>> -> memref<432xf32, #tpu.memory_space<hbm>>
        tpu.enqueue_dma source(%dma_start3A_62 : memref<432xf32, #tpu.memory_space<hbm>>) target(%dma_start3A_60 : memref<432xf32, #tpu.memory_space<vmem>>) target_semaphore(%run_scoped3A : memref<!tpu.dma_semaphore, #tpu.memory_space<semaphore_mem>>)
        %dma_wait3A = arith.constant 0 : i32
        %dma_wait3A_63 = tpu.memref_slice %arg4[%dma_wait3A] : memref<16384xf32, #tpu.memory_space<vmem>> -> memref<432xf32, #tpu.memory_space<vmem>>
        %dma_wait3A_64 = arith.constant 33554432 : i32
        %dma_wait3A_65 = tpu.memref_slice %arg2[%dma_wait3A_64] : memref<33554864xf32, #tpu.memory_space<hbm>> -> memref<432xf32, #tpu.memory_space<hbm>>
        %dma_wait3A_66 = arith.constant 0 : i32
        %dma_wait3A_67 = tpu.memref_slice %arg4[%dma_wait3A_66] : memref<16384xf32, #tpu.memory_space<vmem>> -> memref<432xf32, #tpu.memory_space<vmem>>
        %dma_wait3A_68 = arith.constant 33554432 : i32
        %dma_wait3A_69 = tpu.memref_slice %arg2[%dma_wait3A_68] : memref<33554864xf32, #tpu.memory_space<hbm>> -> memref<432xf32, #tpu.memory_space<hbm>>
        tpu.wait_dma2 semaphore(%run_scoped3A : memref<!tpu.dma_semaphore, #tpu.memory_space<semaphore_mem>>) src(%dma_wait3A_69 : memref<432xf32, #tpu.memory_space<hbm>>) dst(%dma_wait3A_67 : memref<432xf32, #tpu.memory_space<vmem>>)
        tpu.yield
      }) : () -> ()
      %scan3A_49 = arith.constant 0 : i32
      %scan3A_50 = arith.constant 0 : i32
      %scan3A_51 = arith.constant 27 : i32
      %scan3A_52 = arith.addi %scan3A_50, %scan3A_51 : i32
      %scan3A_53 = arith.constant 1 : i32
      %scan3A_54 = scf.for %scan3A_56 = %scan3A_50 to %scan3A_52 step %scan3A_53 iter_args(%scan3A_57 = %scan3A_49) -> (i32)  : i32 {
        %mul3A_58 = arith.constant 16 : i32
        %mul3A_59 = arith.muli %scan3A_56, %mul3A_58 : i32
        %get3A = arith.index_cast %mul3A_59 : i32 to index
        %get3A_60 = tpu.vector_load %arg4[%get3A] {strides = array<i32>} : memref<16384xf32, #tpu.memory_space<vmem>>, vector<16xf32>,
        %sub3A = arith.constant 8.000000e+00 : f32
        %sub3A_61 = vector.broadcast %sub3A : f32 to vector<16xf32>
        %sub3A_62 = arith.subf %get3A_60, %sub3A_61 : vector<16xf32>
        %mul3A_63 = arith.constant 0.0595238097 : f32
        %mul3A_64 = vector.broadcast %mul3A_63 : f32 to vector<16xf32>
        %mul3A_65 = arith.mulf %sub3A_62, %mul3A_64 : vector<16xf32>
        %convert_element_type3A_66 = arith.fptosi %mul3A_65 : vector<16xf32> to vector<16xi32>
        %max3A = arith.constant 0 : i32
        %max3A_67 = vector.broadcast %max3A : i32 to vector<16xi32>
        %max3A_68 = arith.maxsi %convert_element_type3A_66, %max3A_67 : vector<16xi32>
        %min3A = arith.constant 9 : i32
        %min3A_69 = vector.broadcast %min3A : i32 to vector<16xi32>
        %min3A_70 = arith.minsi %max3A_68, %min3A_69 : vector<16xi32>
        %mul3A_71 = arith.constant 16 : i32
        %mul3A_72 = vector.broadcast %mul3A_71 : i32 to vector<16xi32>
        %mul3A_73 = arith.muli %min3A_70, %mul3A_72 : vector<16xi32>
        %add3A_74 = arith.addi %mul3A_73, %iota3A : vector<16xi32>
        tpu.vector_store_idx %arg5[%add3A_74], %broadcast_in_dim3A_1 {add = true} : memref<160xi32, #tpu.memory_space<vmem>>[vector<16xi32>], vector<16xi32>,
        %scan3A_75 = arith.constant 0 : i32
        scf.yield %scan3A_75 : i32
      }
      %scan3A_55 = arith.constant 27 : i32
    } else {
    }
    "tpu.region"() ({
      %run_scoped3A = tpu.sem_alloc : memref<!tpu.dma_semaphore, #tpu.memory_space<semaphore_mem>>
      %dma_start3A = arith.constant 0 : i32
      %dma_start3A_49 = tpu.memref_slice %arg3[%add3A, %dma_start3A] : memref<32x160xi32, #tpu.memory_space<hbm>> -> memref<1x160xi32, #tpu.memory_space<hbm>>
      %dma_start3A_50 = tpu.memref_squeeze %dma_start3A_49 : memref<1x160xi32, #tpu.memory_space<hbm>> -> memref<160xi32, #tpu.memory_space<hbm>>
      %dma_start3A_51 = arith.constant 0 : i32
      %dma_start3A_52 = tpu.memref_slice %arg3[%add3A, %dma_start3A_51] : memref<32x160xi32, #tpu.memory_space<hbm>> -> memref<1x160xi32, #tpu.memory_space<hbm>>
      %dma_start3A_53 = tpu.memref_squeeze %dma_start3A_52 : memref<1x160xi32, #tpu.memory_space<hbm>> -> memref<160xi32, #tpu.memory_space<hbm>>
      tpu.enqueue_dma source(%arg5 : memref<160xi32, #tpu.memory_space<vmem>>) target(%dma_start3A_53 : memref<160xi32, #tpu.memory_space<hbm>>) target_semaphore(%run_scoped3A : memref<!tpu.dma_semaphore, #tpu.memory_space<semaphore_mem>>)
      %dma_wait3A = arith.constant 0 : i32
      %dma_wait3A_54 = tpu.memref_slice %arg3[%add3A, %dma_wait3A] : memref<32x160xi32, #tpu.memory_space<hbm>> -> memref<1x160xi32, #tpu.memory_space<hbm>>
      %dma_wait3A_55 = tpu.memref_squeeze %dma_wait3A_54 : memref<1x160xi32, #tpu.memory_space<hbm>> -> memref<160xi32, #tpu.memory_space<hbm>>
      %dma_wait3A_56 = arith.constant 0 : i32
      %dma_wait3A_57 = tpu.memref_slice %arg3[%add3A, %dma_wait3A_56] : memref<32x160xi32, #tpu.memory_space<hbm>> -> memref<1x160xi32, #tpu.memory_space<hbm>>
      %dma_wait3A_58 = tpu.memref_squeeze %dma_wait3A_57 : memref<1x160xi32, #tpu.memory_space<hbm>> -> memref<160xi32, #tpu.memory_space<hbm>>
      tpu.wait_dma2 semaphore(%run_scoped3A : memref<!tpu.dma_semaphore, #tpu.memory_space<semaphore_mem>>) src(%arg5 : memref<160xi32, #tpu.memory_space<vmem>>) dst(%dma_wait3A_58 : memref<160xi32, #tpu.memory_space<hbm>>)
      tpu.yield
    }) : () -> ()
    return
  }
}

</mosaic_0001>

<sc_bundles>
// kernel: kernel.3.cloned.1.call-start
scs
__scs_entry_jumppad:
0x0: {  	(pc) =	sbr.rel $0x88, $3  }
0x1: {  	(tag) =	ssettag $0x0;
	lr =	simm.s32 $0x1  }
0x2: {  	[smem:$0x3FA0] =	sst lr;
	_ =	strace $0xD0000000  }
0x3: {  	_ = 	snop  }
0x4: {  	_ = 	snop  }
0x5: {  	_ = 	snop  }
0x6: {  	_ = 	snop  }
0x7: {  	_ = 	snop  }
__scs_overlays_trampoline_lowered:
0x8: {  	[smem:$0x3FAF] =	sst s0  }
0x9: {  	[smem:$0x3FB0] =	sst s1  }
0xa: {  	[smem:$0x3FB1] =	sst s2  }
0xb: {  	[smem:$0x3FB2] =	sst s3  }
0xc: {  	[smem:$0x3FB3] =	sst s4  }
0xd: {  	[smem:$0x3FB4] =	sst s5  }
0xe: {  	[smem:$0x3FB5] =	sst s6  }
0xf: {  	[smem:$0x3FB6] =	sst s7  }
0x10: {  	[smem:$0x3FB7] =	sst s8  }
0x11: {  	[smem:$0x3FB8] =	sst s9;
	s0 =	simm.s32 @!p0 $0x0  }
0x12: {  	s1 =	sld [smem:$0x3F9E];
	s0 =	simm.s32 @p0 $0x1  }
0x13: {  	[smem:$0x3FB9] =	sst s0;
	s0 =	simm.s32 @!p1 $0x0  }
0x14: {  	s2 =	sld [smem:$0x3F9D];
	s0 =	simm.s32 @p1 $0x1  }
0x15: {  	[smem:$0x3FBA] =	sst s0;
	s0 =	simm.s32 @!p2 $0x0  }
0x16: {  	s3 =	sld [smem:$0x3FDB];
	s0 =	simm.s32 @p2 $0x1  }
0x17: {  	s4 =	simm.s32 $0x1BF5;
	[smem:$0x3FBC] =	sst s0  }
0x18: {  	s0 =	sld [smem:$0x3F9F];
	_ =	swait.ge [sflag:s4], $0x0  }
0x19: {  	s7 =	sld [smem:$0x3FA0]  }
0x1a: {  	s8 =	sadd.s32 $0xFFFFE003, lr  }
0x1b: {  	s9 =	sadd.s32 $0xFFFFFEF7, lr;
	s5 =	simm.s32 $0xFFFFFFFF;
	p2 =	slt.u32 s8, $0xFFFFF086  }
0x1c: {  	p1 =	slt.u32 s9, $0xF7A;
	s5 =	simm.s32 @!p2 $0x0  }
0x1d: {  	s5 =	simm.s32 @p1 $0x1;
	p0 =	seq.s32 s7, s2  }
0x1e: {  	s7 =	smul.u32 @!p0 $0xF7A, s2;
	p2 =	seq.s32 @!p0 s5, $0x0  }
0x1f: {  	s9 =	smul.u32 $0xF7A, s1;
	s8 =	simm.s32 @!p0 $0x1BF5;
	p2 =	por !p2, p0  }
0x20: {  	[sflag:s8] =	ssyncset.s32 @!p0 $0xFFFFF086;
	s6 =	sadd.s32 @!p0 s3, s7;
	s7 =	simm.s32 @!p0 $0x108  }
0x21: {  	s3 =	sadd.s32 s3, s9;
	s6 =	sadd.s32 @!p0 $0x88, s6;
	s7 =	simm.s32 @p2 $0x1082  }
0x22: {  	[simem:s7], [sflag:s8] =	dma.local @!p0 [hbm:s6], $0xF7A  }
0x23: {  	s9 =	sor.u32 $0xD0000000, s2;
	s6 =	simm.s32 $0x108;
	_ =	swait.ge @!p0 [sflag:s8], $0x0  }
0x24: {  	s3 =	sadd.s32 $0x88, s3;
	s6 =	simm.s32 @!p1 $0x1082;
	[sflag:s4] =	ssyncset.s32 $0xFFFFF086  }
0x25: {  	[simem:s6], [sflag:s4] =	dma.local [hbm:s3], $0xF7A  }
0x26: {  	[smem:$0x3FA0] =	sst s1;
	(tag) =	ssettag s2;
	_ =	strace s9  }
0x27: {  	s1 =	sld [smem:$0x3FB0]  }
0x28: {  	s2 =	sld [smem:$0x3FB1]  }
0x29: {  	s4 =	sld [smem:$0x3FB3]  }
0x2a: {  	p0 =	seq.s32 s5, $0x0;
	s5 =	sld [smem:$0x3FB4]  }
0x2b: {  	s6 =	sld [smem:$0x3FB5]  }
0x2c: {  	s7 =	sld [smem:$0x3FB6]  }
0x2d: {  	s3 =	simm.s32 $0x108;
	s8 =	sld [smem:$0x3FB7]  }
0x2e: {  	s3 =	simm.s32 @!p0 $0x1082;
	s9 =	sld [smem:$0x3FB8]  }
0x2f: {  	lr =	sadd.s32 s0, s3;
	s0 =	sld [smem:$0x3FAF]  }
0x30: {  	s3 =	sld [smem:$0x3FB2]  }
0x31: {  	[smem:$0x3FBB] =	sst s10  }
0x32: {  	s10 =	sld [smem:$0x3FB9];
	_ =	sdelay $0x3  }
0x33: {  	p0 =	seq.s32 s10, $0x1;
	s10 =	sld [smem:$0x3FBB];
	_ =	sdelay $0x3  }
0x34: {  	[smem:$0x3FBB] =	sst s10  }
0x35: {  	s10 =	sld [smem:$0x3FBA];
	_ =	sdelay $0x3  }
0x36: {  	p1 =	seq.s32 s10, $0x1;
	s10 =	sld [smem:$0x3FBB];
	_ =	sdelay $0x3  }
0x37: {  	[smem:$0x3FBB] =	sst s10  }
0x38: {  	s10 =	sld [smem:$0x3FBC]  }
0x39: {  	_ = 	snop;
	(pc) =	sbr.ind lr, $3  }
0x3a: {  	_ = 	snop  }
0x3b: {  	_ = 	snop  }
0x3c: {  	p2 =	seq.s32 s10, $0x1;
	s10 =	sld [smem:$0x3FBB]  }
0x3d: {  	_ =	shalt  }
0x3e: {  	_ =	shalt  }
0x3f: {  	_ =	shalt  }
0x40: {  	_ =	shalt  }
0x41: {  	_ =	shalt  }
0x42: {  	_ =	shalt  }
0x43: {  	_ =	shalt  }
0x44: {  	_ =	shalt  }
0x45: {  	_ =	shalt  }
0x46: {  	_ =	shalt  }
0x47: {  	_ =	shalt  }
0x48: {  	_ =	shalt  }
0x49: {  	_ =	shalt  }
0x4a: {  	_ =	shalt  }
0x4b: {  	_ =	shalt  }
0x4c: {  	_ =	shalt  }
0x4d: {  	_ =	shalt  }
0x4e: {  	_ =	shalt  }
0x4f: {  	_ =	shalt  }
0x50: {  	_ =	shalt  }
0x51: {  	_ =	shalt  }
0x52: {  	_ =	shalt  }
0x53: {  	_ =	shalt  }
0x54: {  	_ =	shalt  }
0x55: {  	_ =	shalt  }
0x56: {  	_ =	shalt  }
0x57: {  	_ =	shalt  }
0x58: {  	_ =	shalt  }
0x59: {  	_ =	shalt  }
0x5a: {  	_ =	shalt  }
0x5b: {  	_ =	shalt  }
0x5c: {  	_ =	shalt  }
0x5d: {  	_ =	shalt  }
0x5e: {  	_ =	shalt  }
0x5f: {  	_ =	shalt  }
0x60: {  	_ =	shalt  }
0x61: {  	_ =	shalt  }
0x62: {  	_ =	shalt  }
0x63: {  	_ =	shalt  }
0x64: {  	_ =	shalt  }
0x65: {  	_ =	shalt  }
0x66: {  	_ =	shalt  }
0x67: {  	_ =	shalt  }
0x68: {  	_ =	shalt  }
0x69: {  	_ =	shalt  }
0x6a: {  	_ =	shalt  }
0x6b: {  	_ =	shalt  }
0x6c: {  	_ =	shalt  }
0x6d: {  	_ =	shalt  }
0x6e: {  	_ =	shalt  }
0x6f: {  	_ =	shalt  }
0x70: {  	_ =	shalt  }
0x71: {  	_ =	shalt  }
0x72: {  	_ =	shalt  }
0x73: {  	_ =	shalt  }
0x74: {  	_ =	shalt  }
0x75: {  	_ =	shalt  }
0x76: {  	_ =	shalt  }
0x77: {  	_ =	shalt  }
0x78: {  	_ =	shalt  }
0x79: {  	_ =	shalt  }
0x7a: {  	_ =	shalt  }
0x7b: {  	_ =	shalt  }
0x7c: {  	_ =	shalt  }
0x7d: {  	_ =	shalt  }
0x7e: {  	_ =	shalt  }
0x7f: {  	_ =	shalt  }
0x80: {  	_ =	shalt  }
0x81: {  	_ =	shalt  }
0x82: {  	_ =	shalt  }
0x83: {  	_ =	shalt  }
0x84: {  	_ =	shalt  }
0x85: {  	_ =	shalt  }
0x86: {  	_ =	shalt  }
0x87: {  	_ =	shalt  }
.Lfunc_end0:
.L_simem_size_0:
called_computation_lowered:
.L_overlay_start_0:
0x88: {  	s2 =	sld [smem:$0x3FD9]  }
0x89: {  	s3 =	sld [smem:$0x3FFE];
	_ =	sdelay $0x1  }
0x8a: {  	s1 =	srdreg.scid  }
0x8b: {  	s0 =	sand.u32 $0x1, s1  }
0x8c: {  	s17 =	sshll.u32 s0, $0xA;
	s2 =	sadd.s32 s3, s2  }
0x8d: {  	s2 =	sadd.s32 s2, s17  }
0x8e: {  	[smem:$0x3FC7] =	sst s2  }
0x8f: {  	_ = 	snop  }
0x90: {  	s2 =	sld [smem:$0x3FC9];
	(tm) =	ssettm $0x1  }
0x91: {  	s18 =	sld [smem:$0x3FFB];
	_ =	sdelay $0x3  }
0x92: {  	_ =	strace s18  }
0x93: {  	s3 =	sld [smem:$0x3FFC];
	_ =	sdelay $0x3  }
0x94: {  	_ =	strace s3  }
0x95: {  	s3 =	sld [smem:$0x3FFD];
	_ =	sdelay $0x3  }
0x96: {  	_ =	strace s3  }
0x97: {  	_ =	strace $0x8FFFFFFF  }
0x98: {  	s19 =	sld [smem:$0x3FDB];
	_ =	sdelay $0x1  }
0x99: {  	s4 =	simm.s32 $_scs_section_size  }
0x9a: {  	s5 =	simm.s32 $_size__tile_overlayer_lowered;
	s6 =	simm.s32 $_tile_overlayer_lowered  }
0x9b: {  	s22 =	simm.s32 $0x1BFF;
	s21 =	sshll.u32 s6, $0x1;
	s3 =	sadd.s32 s4, s19  }
0x9c: {  	s7 =	simm.s32 $0x0;
	s20 =	sshll.u32 s5, $0x1;
	s5 =	sadd.s32 s21, s3  }
0x9d: {  	[timem:s7], [sflag:s22] =	dma.local [hbm:s5], s20  }
0x9e: {  	_ =	swait.ge [sflag:s22], s20  }
0x9f: {  	s4 =	ssub.s32 $0x0, s20;
	[sflag:s22] =	ssyncset.done $0x0  }
0xa0: {  	[sflag:s22] =	ssyncadd.s32 s4;
	_ =	sdelay $0x1  }
0xa1: {  	s23 =	simm.s32 $0x1B8B  }
0xa2: {  	_ =	swait.ge [sflag:s23], $0x1  }
0xa3: {  	[sflag:s23] =	ssyncset.done $0x0  }
0xa4: {  	s25 =	simm.s32 $0x1B8E;
	s24 =	sld [smem:$0x3FFE];
	[sflag:s23] =	ssyncadd.s32 $0xFFFFFFFF  }
0xa5: {  	s26 =	simm.s32 $execute0_lowered;
	[smem:$0x3FD2] =	sst s25  }
0xa6: {  	s5 =	sshll.u32 s26, $0x1;
	_ =	strace $0x80000046;
	[dreg:$0x1] =	wrdreg $0xFFFFFFFF  }
0xa7: {  	s28 =	simm.s32 $_size_execute0_lowered;
	s3 =	sadd.s32 s3, s5;
	[dreg:$0x0] =	wrdreg $0x0  }
0xa8: {  	s5 =	sshll.u32 s28, $0x1;
	[dreg:$0x2] =	wrdreg s3  }
0xa9: {  	[dreg:$0x3] =	wrdreg s5  }
0xaa: {  	[dreg:$0x4] =	wrdreg $0xC0  }
0xab: {  	_ =	task [dreg:s7], $0x5FFFF  }
0xac: {  	[dreg:$0x1] =	wrdreg $0xFFFFFFFF  }
0xad: {  	[dreg:$0x0] =	wrdreg $0x60  }
0xae: {  	[dreg:$0x2] =	wrdreg s2  }
0xaf: {  	[dreg:$0x3] =	wrdreg s24  }
0xb0: {  	[dreg:$0x4] =	wrdreg $0x9  }
0xb1: {  	_ =	task.clear_ibuf [dreg:s7], $0x5FFFF;
	_ =	strace $0x90000046  }
0xb2: {  	s29 =	simm.s32 $0x9;
	_ =	strace $0x80000048  }
0xb3: {  	_ =	swait.ge [sflag:s29], $0x1  }
0xb4: {  	[sflag:s29] =	ssyncadd.s32 $0xFFFFFFFF  }
0xb5: {  	_ =	strace $0x90000048  }
0xb6: {  	_ =	sfence  }
0xb7: {  	s30 =	sld [smem:$0x0];
	_ =	sdelay $0x2  }
0xb8: {  	s31 =	sshll.u32 s1, $0xD;
	s1 =	sshrl.u32 s1, $0x2  }
0xb9: {  	s3 =	sand.u32 $0x4000, s31;
	s1 =	sadd.s32 s1, s30  }
0xba: {  	s0 =	sor.u32 s3, s0;
	s1 =	sshll.u32 s1, $0x11  }
0xbb: {  	s0 =	sor.u32 s1, s0  }
0xbc: {  	s0 =	sadd.s32 $0x8F2B, s0  }
0xbd: {  	[sflag:s0] =	ssyncadd.remote.s32 $0x1  }
0xbe: {  	_ =	sfence.sel $0xFFFF  }
0xbf: {  	[dreg:$0x0] =	wrdreg $0xFFFFFFFF;
	(pc) =	sbr.abs _section_cstart, $3  }
0xc0: {  	[dreg:$0x1] =	wrdreg $0xFFFFFFFF  }
0xc1: {  	_ =	task.clear_ibuf [dreg:s7], $0x2FFFF;
	_ =	strace $0x9FFFFFFF  }
0xc2: {  	(tm) =	ssettm $0x7FFFFFFF  }
0xc3: {  	_ =	shalt  }
tec
execute0_lowered:
.L_overlay_start_1:
0x0: {  	(tag) =	ssettag $0x1  }
0x1: {  	s4 =	rddreg [dreg:$0x0]  }
0x2: {  	s3 =	rddreg [dreg:$0x1]  }
0x3: {  	s0 =	rddreg [dreg:$0x2]  }
0x4: {  	s2 =	simm.s32 $0x0;
	s5 =	srdreg.scid;
	s1 =	stileid.u32  }
0x5: {  	s10 =	simm.s32 $0x400;
	[smem:$0x7FF] =	sst s2;
	s5 =	sand.u32 $0x1, s5  }
0x6: {  	s7 =	sshll.u32 s1, $0x1;
	s30 =	sshll.u32 s1, $0x6;
	_ =	strace $0x80000047  }
0x7: {  	s6 =	ssub.s32 $0x2, s5;
	s9 =	sor.u32 s5, s7;
	s5 =	sand.u32 $0x300, s30  }
.Ltmp0:
0x8: {  	s8 =	sshrl.u32 s6, $0x1;
	s7 =	sshll.u32 s9, $0x4;
	(pc) =	sbr.rel .LBB2_1-.Ltmp0, $4  }
0x9: {  	s31 =	sshll.u32 s9, $0x11;
	s5 =	sadd.s32 s3, s5;
	p0 =	sne.s32 s9, $0x0  }
0xa: {  	s9 =	simm.s32 $0x80;
	s6 =	ssub.s32 s6, s8;
	s7 =	sand.u32 $0x70, s7  }
0xb: {  	s3 =	sadd.s32 s4, s31;
	s4 =	sadd.s32 $0x400000, s4;
	s8 =	simm.s32 $0x4000  }
0xc: {  	v0 =	vimm.s32 $0x0;
	v1 =	vlaneseq.u32;
	v2 =	vimm.s32 $0x1;
	s5 =	sadd.s32 s7, s5;
	s6 =	smax.u32 s6, $0x1;
	s7 =	simm.s32 $0x1  }
.LBB2_9:
0xd: {  	s2 =	sadd.s32 $0x1, s2  }
0xe: {  	p1 =	sne.s32 s2, s6  }
.Ltmp1:
0xf: {  	_ = 	snop;
	(pc) =	sbr.rel @!p1 .LBB2_10-.Ltmp1, $4  }
0x10: {  	[hbm4b:s5+s9] =	stream.strided.scatter [tilespmem:s8], [sflag:$0x1], $0x100, s10, s9, $0x38;
	[tilespmem:$0x4100] =	vst v63  }
0x11: {  	_ =	swait.ge [sflag:s7], $0x100  }
0x12: {  	[sflag:s7] =	ssyncset.done $0x0  }
0x13: {  	[sflag:s7] =	ssyncadd.s32 $0xFFFFFF00  }
.LBB2_1:
0x14: {  	[tilespmem:$0x4000] =	vst v0  }
0x15: {  	[tilespmem:$0x4010] =	vst v0  }
0x16: {  	[tilespmem:$0x4020] =	vst v0  }
0x17: {  	[tilespmem:$0x4030] =	vst v0  }
0x18: {  	[tilespmem:$0x4040] =	vst v0  }
0x19: {  	[tilespmem:$0x4050] =	vst v0  }
0x1a: {  	[tilespmem:$0x4060] =	vst v0  }
0x1b: {  	[tilespmem:$0x4070] =	vst v0  }
0x1c: {  	[tilespmem:$0x4080] =	vst v0  }
0x1d: {  	[tilespmem:$0x4090] =	vst v0;
	s11 =	simm.s32 $0x0  }
.LBB2_2:
0x1e: {  	s12 =	sshll.u32 s11, $0xB  }
0x1f: {  	s13 =	simm.s32 $0x0;
	s12 =	sadd.s32 s12, s3  }
0x20: {  	[tilespmem:s13], [sflag:$0x1] =	stream.linear.gather [hbm4b:s12+s13], $0x4000, $0x38;
	[tilespmem:$0x4100] =	vst v63  }
0x21: {  	_ =	swait.ge [sflag:s7], $0x4000  }
0x22: {  	[sflag:s7] =	ssyncset.done $0x0  }
0x23: {  	s13 =	simm.s32 $0x0;
	s12 =	simm.s32 $0x40;
	[sflag:s7] =	ssyncadd.s32 $0xFFFFC000  }
.LBB2_3:
0x24: {  	p1 =	sne.s32 s12, $0xFFC0;
	v3 =	vld [tilespmem:s13+$0x0];
	_ =	sdelay $0x4  }
0x25: {  	v3 =	vadd.f32 $-8.000000000e+00, v3;
	_ =	sdelay $0x1  }
0x26: {  	v3 =	vmul.f32 $5.952380970e-02, v3;
	_ =	sdelay $0x1  }
0x27: {  	v3 =	vtrunc.f32 v3  }
0x28: {  	v3 =	vcvt.f32.s32 v3;
	_ =	sdelay $0x1  }
0x29: {  	vm0 =	vgt.s32 v3, $0x0  }
0x2a: {  	v3 =	vnsel vm0, $0x0, v3  }
0x2b: {  	v3 =	vmin.u32 v3, $0x9  }
0x2c: {  	v3 =	vshll.u32 v3, $0x4  }
0x2d: {  	v3 =	vor.u32 v1, v3  }
.Ltmp2:
0x2e: {  	(pc) =	sbr.rel @p1 .LBB2_3-.Ltmp2, $2  }
0x2f: {  	_ =	sdelay $0x2  }
0x30: {  	s13 =	sshra.s32 s12, $0x2;
	s12 =	sadd.s32 $0x40, s12;
	[tilespmem:v3+s8+$0x0] =	vst.idx.add.s32.msk $0xffff, v2  }
0x31: {  	v3 =	vld [tilespmem:s13+$0x0];
	_ =	sdelay $0x4  }
0x32: {  	v3 =	vadd.f32 $-8.000000000e+00, v3;
	_ =	sdelay $0x1  }
0x33: {  	v3 =	vmul.f32 $5.952380970e-02, v3;
	_ =	sdelay $0x1  }
0x34: {  	v3 =	vtrunc.f32 v3  }
0x35: {  	v3 =	vcvt.f32.s32 v3;
	_ =	sdelay $0x1  }
0x36: {  	vm0 =	vgt.s32 v3, $0x0  }
0x37: {  	v3 =	vnsel vm0, $0x0, v3  }
0x38: {  	v3 =	vmin.u32 v3, $0x9  }
0x39: {  	s11 =	sadd.s32 $0x1, s11;
	v3 =	vshll.u32 v3, $0x4  }
0x3a: {  	p1 =	sne.s32 s11, $0x40;
	v3 =	vor.u32 v1, v3  }
.Ltmp3:
0x3b: {  	_ = 	snop;
	(pc) =	sbr.rel @p1 .LBB2_2-.Ltmp3, $2  }
0x3c: {  	_ =	sdelay $0x2  }
0x3d: {  	[tilespmem:v3+s8+$0x0] =	vst.idx.add.s32.msk $0xffff, v2  }
.Ltmp4:
0x3e: {  	(pc) =	sbr.rel @p0 .LBB2_9-.Ltmp4, $1  }
0x3f: {  	_ =	sdelay $0x3  }
0x40: {  	s11 =	simm.s32 $0x0  }
0x41: {  	[tilespmem:s11], [sflag:$0x1] =	stream.linear.gather [hbm4b:s4+s11], $0x1B0, $0x38;
	[tilespmem:$0x4100] =	vst v63  }
0x42: {  	_ =	swait.ge [sflag:s7], $0x1B0  }
0x43: {  	[sflag:s7] =	ssyncset.done $0x0  }
0x44: {  	s12 =	simm.s32 $0x0;
	s11 =	simm.s32 $0x40;
	[sflag:s7] =	ssyncadd.s32 $0xFFFFFE50  }
.LBB2_7:
0x45: {  	p1 =	sne.s32 s11, $0x680;
	v3 =	vld [tilespmem:s12+$0x0];
	_ =	sdelay $0x4  }
0x46: {  	v3 =	vadd.f32 $-8.000000000e+00, v3;
	_ =	sdelay $0x1  }
0x47: {  	v3 =	vmul.f32 $5.952380970e-02, v3;
	_ =	sdelay $0x1  }
0x48: {  	v3 =	vtrunc.f32 v3  }
0x49: {  	v3 =	vcvt.f32.s32 v3;
	_ =	sdelay $0x1  }
0x4a: {  	vm0 =	vgt.s32 v3, $0x0  }
0x4b: {  	v3 =	vnsel vm0, $0x0, v3  }
0x4c: {  	v3 =	vmin.u32 v3, $0x9  }
0x4d: {  	v3 =	vshll.u32 v3, $0x4  }
0x4e: {  	v3 =	vor.u32 v1, v3  }
.Ltmp5:
0x4f: {  	(pc) =	sbr.rel @p1 .LBB2_7-.Ltmp5, $2  }
0x50: {  	_ =	sdelay $0x2  }
0x51: {  	s12 =	sshra.s32 s11, $0x2;
	s11 =	sadd.s32 $0x40, s11;
	[tilespmem:v3+s8+$0x0] =	vst.idx.add.s32.msk $0xffff, v2  }
0x52: {  	v3 =	vld [tilespmem:s12+$0x0];
	_ =	sdelay $0x4  }
0x53: {  	v3 =	vadd.f32 $-8.000000000e+00, v3;
	_ =	sdelay $0x1  }
0x54: {  	v3 =	vmul.f32 $5.952380970e-02, v3;
	_ =	sdelay $0x1  }
0x55: {  	v3 =	vtrunc.f32 v3  }
0x56: {  	v3 =	vcvt.f32.s32 v3;
	_ =	sdelay $0x1  }
0x57: {  	vm0 =	vgt.s32 v3, $0x0  }
0x58: {  	v3 =	vnsel vm0, $0x0, v3  }
0x59: {  	v3 =	vmin.u32 v3, $0x9  }
0x5a: {  	v3 =	vshll.u32 v3, $0x4  }
0x5b: {  	v3 =	vor.u32 v1, v3  }
.Ltmp6:
0x5c: {  	_ = 	snop;
	(pc) =	sbr.rel .LBB2_9-.Ltmp6, $2  }
0x5d: {  	_ =	sdelay $0x2  }
0x5e: {  	[tilespmem:v3+s8+$0x0] =	vst.idx.add.s32.msk $0xffff, v2  }
.LBB2_10:
0x5f: {  	_ =	sfence.sel $0x180000  }
0x60: {  	[bflag:$0x0] =	sbarrier.arrive $0xFFFF  }
0x61: {  	p0 =	sne.s32 s1, $0x0;
	_ =	strace $0x90000047  }
0x62: {  	s0 =	sadd.s32 @!p0 $0x100000, s0;
	[bflag:$0x2] =	sbarrier.arrive $0xFFFF  }
0x63: {  	[sflag:s0] =	ssyncadd.tile.s32 @!p0 $0x1;
	_ =	shalt  }
.Lfunc_end2:
_tile_overlayer_lowered:
.L_overlay_start_2:
0x64: {  	(tag) =	ssettag $0x2  }
0x65: {  	s0 =	rddreg [dreg:$0x0];
	s2 =	stileid.u32  }
0x66: {  	s1 =	rddreg [dreg:$0x1];
	p0 =	sne.s32 s2, $0x0  }
0x67: {  	s3 =	rddreg [dreg:$0x2];
	[bflag:$0x3] =	sbarrier.arrive $0xFFFF;
	s2 =	simm.s32 @!p0 $0x1C01  }
0x68: {  	[timem:s3], [sflag:s2] =	dma.local @!p0 [hbm:s0], s1  }
0x69: {  	s0 =	simm.s32 @!p0 $0x1  }
0x6a: {  	_ =	swait.ge @!p0 [sflag:s0], s1  }
0x6b: {  	s1 =	ssub.s32 @!p0 $0x0, s1;
	[sflag:s0] =	ssyncset.done @!p0 $0x0  }
0x6c: {  	[sflag:s0] =	ssyncadd.s32 @!p0 s1  }
0x6d: {  	[bflag:$0x3] =	sbarrier.arrive $0xFFFF  }
0x6e: {  	_ =	shalt  }

</sc_bundles>
